<compile_context>
chip_gen: v7x
topology: tpu7x:2x2x1
jax: 0.10.2.dev20260603
libtpu: 0.0.44.dev20260713+nightly
codegen_flags: <defaults>
</compile_context>

<pallas_src>
import functools

import jax
import jax.numpy as jnp
from jax import lax
from jax.experimental import pallas as pl
from jax.experimental.pallas import tpu as pltpu
from jax.experimental.pallas import tpu_sc as plsc

N = 16384
K = 16
EPS = 1e-5
GP = 128


def _bf(v):
    return v.astype(jnp.bfloat16)


BQ = 256
BK = 512


def _knn_body(xq_ref, xt_ref, q2_ref, k2_ref, bcol_ref, brow_ref, idx_ref):
    Xq = _bf(xq_ref[...])
    q2 = q2_ref[...]
    bq = bcol_ref[...]
    bfirst = bcol_ref[0, 0]
    blast = bcol_ref[BQ - 1, 0]
    brow = brow_ref[...]
    lo = jnp.sum((brow < bfirst).astype(jnp.int32))
    hi = jnp.sum((brow <= blast).astype(jnp.int32))
    clo = lo // BK
    chi = (hi + BK - 1) // BK

    def chunk_body(c, carry):
        cand_d, cand_i = carry
        koff = pl.multiple_of(c * BK, BK)
        XcT = xt_ref[:, pl.ds(koff, BK)]
        s = jnp.dot(Xq, _bf(XcT), preferred_element_type=jnp.float32)
        d2 = (q2 - 2.0 * s) + k2_ref[:, pl.ds(koff, BK)]
        bk = brow_ref[:, pl.ds(koff, BK)]
        d2 = jnp.where(bq != bk, jnp.inf, d2)
        colid = koff + lax.broadcasted_iota(jnp.int32, (BQ, BK), 1)
        lane = lax.broadcasted_iota(jnp.int32, (BQ, K), 1)

        def ext(_, c2):
            d2c, cd, ci = c2
            m = jnp.min(d2c, axis=1, keepdims=True)
            am = jnp.min(jnp.where(d2c <= m, colid, N),
                         axis=1, keepdims=True)
            T = jnp.max(cd, axis=1, keepdims=True)
            ws = jnp.min(jnp.where(cd >= T, lane, K),
                         axis=1, keepdims=True)
            upd = (lane == ws) & (m < T)
            cd = jnp.where(upd, m, cd)
            ci = jnp.where(upd, am, ci)
            d2c = jnp.where(colid == am, jnp.inf, d2c)
            return d2c, cd, ci

        _, cand_d, cand_i = lax.fori_loop(0, K, ext, (d2, cand_d, cand_i))
        return cand_d, cand_i

    cand_d = jnp.full((BQ, K), jnp.inf, jnp.float32)
    cand_i = jnp.zeros((BQ, K), jnp.int32)
    _, cand_i = lax.fori_loop(clo, chi, chunk_body, (cand_d, cand_i))
    idx_ref[...] = cand_i


def _knn(x, x2, bcol, brow):
    n, d = x.shape
    return pl.pallas_call(
        _knn_body,
        grid=(n // BQ,),
        in_specs=[
            pl.BlockSpec((BQ, d), lambda i: (i, 0)),
            pl.BlockSpec((d, n), lambda i: (0, 0)),
            pl.BlockSpec((BQ, 1), lambda i: (i, 0)),
            pl.BlockSpec((1, n), lambda i: (0, 0)),
            pl.BlockSpec((BQ, 1), lambda i: (i, 0)),
            pl.BlockSpec((1, n), lambda i: (0, 0)),
        ],
        out_specs=pl.BlockSpec((BQ, K), lambda i: (i, 0)),
        out_shape=jax.ShapeDtypeStruct((n, K), jnp.int32),
    )(x, x.T, x2.reshape(n, 1), x2.reshape(1, n), bcol, brow)


_NC, _NS = 2, 16
_NW = _NC * _NS
_GCH = 128


@jax.jit
def _sc_gather(table, idx):
    perw = (N * K) // _NW
    mesh = plsc.VectorSubcoreMesh(core_axis_name="c", subcore_axis_name="s")

    @functools.partial(
        pl.kernel,
        mesh=mesh,
        out_type=jax.ShapeDtypeStruct((N * K, GP), jnp.float32),
        scratch_types=[
            pltpu.VMEM((_GCH,), jnp.int32),
            pltpu.VMEM((_GCH, GP), jnp.float32),
            pltpu.SemaphoreType.DMA,
        ],
    )
    def gk(table_hbm, idx_hbm, out_hbm, idx_v, rows_v, sem):
        wid = lax.axis_index("s") * _NC + lax.axis_index("c")
        base = wid * perw

        def step(j, carry):
            off = base + j * _GCH
            pltpu.sync_copy(idx_hbm.at[pl.ds(off, _GCH)], idx_v)
            pltpu.async_copy(table_hbm.at[idx_v], rows_v, sem).wait()
            pltpu.sync_copy(rows_v, out_hbm.at[pl.ds(off, _GCH)])
            return carry

        lax.fori_loop(0, perw // _GCH, step, 0)

    return gk(table, idx)


BD = 128


def _h1s_body(g_ref, x_ref, w_ref, b_ref, h1_ref):
    d = x_ref.shape[1]
    xi = x_ref[...]
    xj = g_ref[...][:, :, :d]
    xi3 = jnp.broadcast_to(xi[:, None, :], (BD, K, d))
    msg = jnp.concatenate([xi3.reshape(BD * K, d),
                           (xj - xi[:, None, :]).reshape(BD * K, d)], axis=1)
    mm = jnp.dot(_bf(msg), _bf(w_ref[...]),
                 preferred_element_type=jnp.float32) + b_ref[...]
    h1_ref[...] = mm.reshape(BD, K, mm.shape[-1])


def _h1s(g3, x, W1, b1):
    n, d = x.shape
    c1 = W1.shape[1]
    return pl.pallas_call(
        _h1s_body,
        grid=(n // BD,),
        in_specs=[
            pl.BlockSpec((BD, K, GP), lambda i: (i, 0, 0)),
            pl.BlockSpec((BD, d), lambda i: (i, 0)),
            pl.BlockSpec((2 * d, c1), lambda i: (0, 0)),
            pl.BlockSpec((1, c1), lambda i: (0, 0)),
        ],
        out_specs=pl.BlockSpec((BD, K, c1), lambda i: (i, 0, 0)),
        out_shape=jax.ShapeDtypeStruct((n, K, c1), jnp.float32),
    )(g3, x, W1, b1.reshape(1, c1))


def _bn_apply(h, mu_ref, var_ref, g_ref, be_ref):
    sh = h.shape[-1]
    return (g_ref[...].reshape(1, 1, sh) * (h - mu_ref[...].reshape(1, 1, sh))
            * lax.rsqrt(var_ref[...].reshape(1, 1, sh) + EPS)
            + be_ref[...].reshape(1, 1, sh))



def _midh_body(h_ref, mu_ref, var_ref, bg_ref, bb_ref, w_ref, b_ref, h2_ref):
    y = jnp.maximum(_bn_apply(h_ref[...], mu_ref, var_ref, bg_ref, bb_ref),
                    0.0)
    y2 = y.reshape(BD * K, y.shape[-1])
    mm = jnp.dot(_bf(y2), _bf(w_ref[...]),
                 preferred_element_type=jnp.float32) + b_ref[...]
    h2_ref[...] = mm.reshape(BD, K, mm.shape[-1])


def _midh(h3, mu, var, bn_g, bn_be, W, b):
    n, _, c1 = h3.shape
    c2 = W.shape[1]
    nb = n // BD
    return pl.pallas_call(
        _midh_body,
        grid=(nb,),
        in_specs=[
            pl.BlockSpec((BD, K, c1), lambda i: (i, 0, 0)),
            pl.BlockSpec((1, c1), lambda i: (0, 0)),
            pl.BlockSpec((1, c1), lambda i: (0, 0)),
            pl.BlockSpec((1, c1), lambda i: (0, 0)),
            pl.BlockSpec((1, c1), lambda i: (0, 0)),
            pl.BlockSpec((c1, c2), lambda i: (0, 0)),
            pl.BlockSpec((1, c2), lambda i: (0, 0)),
        ],
        out_specs=pl.BlockSpec((BD, K, c2), lambda i: (i, 0, 0)),
        out_shape=jax.ShapeDtypeStruct((n, K, c2), jnp.float32),
    )(h3, mu.reshape(1, c1), var.reshape(1, c1), bn_g.reshape(1, c1),
      bn_be.reshape(1, c1), W, b.reshape(1, c2))



def _fin_body(h_ref, mu_ref, var_ref, bg_ref, bb_ref, w_ref, b_ref, o_ref):
    y = jnp.maximum(_bn_apply(h_ref[...], mu_ref, var_ref, bg_ref, bb_ref),
                    0.0)
    y2 = y.reshape(BD * K, y.shape[-1])
    mm = jnp.dot(_bf(y2), _bf(w_ref[...]), preferred_element_type=jnp.float32)
    mm = mm.reshape(BD, K, mm.shape[-1])
    o_ref[...] = jnp.max(mm, axis=1) + b_ref[...]


def _fin(h3, mu, var, bn_g, bn_be, W, b):
    n, _, c1 = h3.shape
    c2 = W.shape[1]
    return pl.pallas_call(
        _fin_body,
        grid=(n // BD,),
        in_specs=[
            pl.BlockSpec((BD, K, c1), lambda i: (i, 0, 0)),
            pl.BlockSpec((1, c1), lambda i: (0, 0)),
            pl.BlockSpec((1, c1), lambda i: (0, 0)),
            pl.BlockSpec((1, c1), lambda i: (0, 0)),
            pl.BlockSpec((1, c1), lambda i: (0, 0)),
            pl.BlockSpec((c1, c2), lambda i: (0, 0)),
            pl.BlockSpec((1, c2), lambda i: (0, 0)),
        ],
        out_specs=pl.BlockSpec((BD, c2), lambda i: (i, 0)),
        out_shape=jax.ShapeDtypeStruct((n, c2), jnp.float32),
    )(h3, mu.reshape(1, c1), var.reshape(1, c1), bn_g.reshape(1, c1),
      bn_be.reshape(1, c1), W, b.reshape(1, c2))


BH = 512


def _head_body(f1_ref, f2_ref, f3_ref, w1_ref, b1_ref, w2_ref, b2_ref,
               w3_ref, b3_ref, o_ref):
    h = jnp.concatenate([f1_ref[...], f2_ref[...], f3_ref[...]], axis=1)
    h = jnp.maximum(
        jnp.dot(_bf(h), _bf(w1_ref[...]), preferred_element_type=jnp.float32)
        + b1_ref[...], 0.0)
    h = jnp.maximum(
        jnp.dot(_bf(h), _bf(w2_ref[...]), preferred_element_type=jnp.float32)
        + b2_ref[...], 0.0)
    o_ref[...] = jnp.dot(_bf(h), _bf(w3_ref[...]),
                         preferred_element_type=jnp.float32) + b3_ref[...]


def _head(f1, f2, f3, hp):
    n = f1.shape[0]
    ncls = hp['W3'].shape[1]
    return pl.pallas_call(
        _head_body,
        grid=(n // BH,),
        in_specs=[
            pl.BlockSpec((BH, f1.shape[1]), lambda i: (i, 0)),
            pl.BlockSpec((BH, f2.shape[1]), lambda i: (i, 0)),
            pl.BlockSpec((BH, f3.shape[1]), lambda i: (i, 0)),
            pl.BlockSpec(hp['W1'].shape, lambda i: (0, 0)),
            pl.BlockSpec((1, hp['W1'].shape[1]), lambda i: (0, 0)),
            pl.BlockSpec(hp['W2'].shape, lambda i: (0, 0)),
            pl.BlockSpec((1, hp['W2'].shape[1]), lambda i: (0, 0)),
            pl.BlockSpec(hp['W3'].shape, lambda i: (0, 0)),
            pl.BlockSpec((1, ncls), lambda i: (0, 0)),
        ],
        out_specs=pl.BlockSpec((BH, ncls), lambda i: (i, 0)),
        out_shape=jax.ShapeDtypeStruct((n, ncls), jnp.float32),
    )(f1, f2, f3,
      hp['W1'], hp['b1'].reshape(1, -1),
      hp['W2'], hp['b2'].reshape(1, -1),
      hp['W3'], hp['b3'].reshape(1, -1))



def _gathered(x, bcol, brow):
    n, d = x.shape
    x2 = jnp.sum(x * x, axis=1)
    idx = _knn(x, x2, bcol, brow)
    xpad = x if d == GP else jnp.pad(x, ((0, 0), (0, GP - d)))
    g = _sc_gather(xpad, idx.reshape(N * K))
    return g.reshape(N, K, GP)


def _stats(h3):
    h2d = h3.reshape(N * K, h3.shape[2])
    return jnp.mean(h2d, axis=0), jnp.var(h2d, axis=0)


def _edge_conv2(x, bcol, brow, p):
    g3 = _gathered(x, bcol, brow)
    h1 = _h1s(g3, x, p['W1'], p['b1'])
    mu, var = _stats(h1)
    return _fin(h1, mu, var, p['g1'], p['be1'], p['W2'], p['b2'])


def _edge_conv3(x, bcol, brow, p):
    g3 = _gathered(x, bcol, brow)
    h1 = _h1s(g3, x, p['W1'], p['b1'])
    mu, var = _stats(h1)
    h2 = _midh(h1, mu, var, p['g1'], p['be1'], p['W2'], p['b2'])
    mu2, var2 = _stats(h2)
    return _fin(h2, mu2, var2, p['g2'], p['be2'], p['W3'], p['b3'])


def kernel(x, batch, params):
    bcol = batch.reshape(N, 1)
    brow = batch.reshape(1, N)
    f1 = _edge_conv3(x, bcol, brow, params['ec1'])
    f2 = _edge_conv2(f1, bcol, brow, params['ec2'])
    f3 = _edge_conv2(f2, bcol, brow, params['ec3'])
    return _head(f1, f2, f3, params['head'])

# --- scband reference (transcript-rebuilt; emitter-appended) ---
"""Pipeline reference for scband-edge-seg-net-2954937499966 (READ-ONLY COPY).

The authoritative reference and input builder live on the scoring server;
editing this copy changes nothing except your own understanding.
"""

import jax, jax.numpy as jnp
import numpy as np

N = 16384
IN_CH = 6
K = 16
NUM_CLASSES = 13
CHUNK = 1024


def _lin(key, i, o):
    return jax.random.normal(key, (i, o), jnp.float32) / np.sqrt(i)


def _make_params(key):
    ks = jax.random.split(key, 16)
    p = {}
    p['ec1'] = {'W1': _lin(ks[0], 2 * IN_CH, 64), 'b1': jnp.zeros(64), 'g1': jnp.ones(64), 'be1': jnp.zeros(64),
                'W2': _lin(ks[1], 64, 64), 'b2': jnp.zeros(64), 'g2': jnp.ones(64), 'be2': jnp.zeros(64),
                'W3': _lin(ks[2], 64, 64), 'b3': jnp.zeros(64)}
    p['ec2'] = {'W1': _lin(ks[3], 128, 128), 'b1': jnp.zeros(128), 'g1': jnp.ones(128), 'be1': jnp.zeros(128),
                'W2': _lin(ks[4], 128, 128), 'b2': jnp.zeros(128)}
    p['ec3'] = {'W1': _lin(ks[5], 256, 256), 'b1': jnp.zeros(256), 'g1': jnp.ones(256), 'be1': jnp.zeros(256),
                'W2': _lin(ks[6], 256, 256), 'b2': jnp.zeros(256)}
    p['head'] = {'W1': _lin(ks[7], 448, 256), 'b1': jnp.zeros(256),
                 'W2': _lin(ks[8], 256, 128), 'b2': jnp.zeros(128),
                 'W3': _lin(ks[9], 128, NUM_CLASSES), 'b3': jnp.zeros(NUM_CLASSES)}
    return p


def setup_inputs(seed: int = 0):
    key = jax.random.key(seed)
    k1, k2, k3 = jax.random.split(key, 3)
    x = jax.random.normal(k1, (N, IN_CH), jnp.float32)
    batch = jnp.sort(jax.random.randint(k2, (N,), 0, 8)).astype(jnp.int32)
    params = _make_params(k3)
    return {'x': x, 'batch': batch, 'params': params}


def _bn(h, g, b, eps=1e-5):
    mu = jnp.mean(h, axis=0)
    var = jnp.var(h, axis=0)
    return g * (h - mu) / jnp.sqrt(var + eps) + b


def _knn_idx(x, batch, k):
    # brute-force kNN in feature space, restricted to points in the same cloud (batch id)
    n = x.shape[0]
    xs = jax.lax.stop_gradient(x)  # knn indices are non-differentiable
    x2 = jnp.sum(xs * xs, axis=1)

    def chunk_fn(args):
        xq, bq, q2 = args
        d2 = q2[:, None] - 2.0 * (xq @ xs.T) + x2[None, :]
        mask = bq[:, None] != batch[None, :]
        d2 = jnp.where(mask, jnp.inf, d2)
        _, idx = jax.lax.top_k(-d2, k)  # includes self, like torch_geometric knn(x, x, k)
        return idx

    nchunks = n // CHUNK
    idx = jax.lax.map(chunk_fn, (xs.reshape(nchunks, CHUNK, -1),
                                 batch.reshape(nchunks, CHUNK),
                                 x2.reshape(nchunks, CHUNK)))
    return idx.reshape(n, k)


def _mlp3(h, p):
    # PyG MLP([2c, 64, 64, 64], norm='batch_norm'), plain_last=True
    h = jax.nn.relu(_bn(h @ p['W1'] + p['b1'], p['g1'], p['be1']))
    h = jax.nn.relu(_bn(h @ p['W2'] + p['b2'], p['g2'], p['be2']))
    return h @ p['W3'] + p['b3']


def _mlp2(h, p):
    # PyG MLP([2c, d, d], norm='batch_norm'), plain_last=True
    h = jax.nn.relu(_bn(h @ p['W1'] + p['b1'], p['g1'], p['be1']))
    return h @ p['W2'] + p['b2']


def _edge_conv(x, batch, k, mlp_fn, p):
    # DynamicEdgeConv: message = nn(cat([x_i, x_j - x_i])), aggr = max
    n, d = x.shape
    idx = _knn_idx(x, batch, k)
    xi = jnp.broadcast_to(x[:, None, :], (n, k, d))
    xj = x[idx]
    msg = jnp.concatenate([xi, xj - xi], axis=-1).reshape(n * k, 2 * d)
    h = mlp_fn(msg, p)
    return jnp.max(h.reshape(n, k, -1), axis=1)


def _forward(x, batch, params):
    f1 = _edge_conv(x, batch, K, _mlp3, params['ec1'])
    f2 = _edge_conv(f1, batch, K, _mlp2, params['ec2'])
    f3 = _edge_conv(f2, batch, K, _mlp2, params['ec3'])
    feat = jnp.concatenate([f1, f2, f3], axis=1)
    hp = params['head']
    h = jax.nn.relu(feat @ hp['W1'] + hp['b1'])
    # dropout is identity at inference
    h = jax.nn.relu(h @ hp['W2'] + hp['b2'])
    return h @ hp['W3'] + hp['b3']


def reference(x, batch, params):
    return _forward(x, batch, params)

if __name__ == "__main__":
    import jax
    _d = setup_inputs()
    print(jax.jit(kernel)(*tuple(_d.values())))

</pallas_src>

<mosaic_0001>
#map = affine_map<(d0, d1) -> (0, 0)>
#map1 = affine_map<(d0, d1) -> (0)>
module attributes {stable_mosaic.version = 14 : i64} {
  func.func @gk(%arg0: i32, %arg1: i32, %arg2: memref<16384x128xf32, #tpu.memory_space<hbm>>, %arg3: memref<262144xi32, #tpu.memory_space<hbm>>, %arg4: memref<262144x128xf32, #tpu.memory_space<hbm>>, %arg5: memref<128xi32, #tpu.memory_space<vmem>>, %arg6: memref<128x128xf32, #tpu.memory_space<vmem>>, %arg7: memref<!tpu.dma_semaphore, #tpu.memory_space<semaphore_mem>>) attributes {dimension_semantics = [#tpu.dimension_semantics<core_parallel>, #tpu.dimension_semantics<subcore_parallel>], iteration_bounds = array<i64: 2, 16>, scalar_prefetch = 0 : i64, scratch_operands = 3 : i64, tpu.core_type = #tpu.core_type<sc_vector_subcore>, window_params = [{transform_indices = #map}, {transform_indices = #map1}, {transform_indices = #map}]} {
    %mul3A = arith.constant 2 : i32
    %mul3A_0 = arith.muli %arg1, %mul3A : i32
    %add3A = arith.addi %mul3A_0, %arg0 : i32
    %mul3A_1 = arith.constant 8192 : i32
    %mul3A_2 = arith.muli %add3A, %mul3A_1 : i32
    %scan3A = arith.constant 0 : i32
    %scan3A_3 = arith.constant 0 : i32
    %scan3A_4 = arith.constant 64 : i32
    %scan3A_5 = arith.addi %scan3A_3, %scan3A_4 : i32
    %scan3A_6 = arith.constant 1 : i32
    scf.for %scan3A_8 = %scan3A_3 to %scan3A_5 step %scan3A_6  : i32 {
      %mul3A_9 = arith.constant 128 : i32
      %mul3A_10 = arith.muli %scan3A_8, %mul3A_9 : i32
      %add3A_11 = arith.addi %mul3A_2, %mul3A_10 : i32
      "tpu.region"() ({
        %run_scoped3A = tpu.sem_alloc : memref<!tpu.dma_semaphore, #tpu.memory_space<semaphore_mem>>
        %dma_start3A_16 = tpu.memref_slice %arg3[%add3A_11] : memref<262144xi32, #tpu.memory_space<hbm>> -> memref<128xi32, #tpu.memory_space<hbm>>
        %dma_start3A_17 = tpu.memref_slice %arg3[%add3A_11] : memref<262144xi32, #tpu.memory_space<hbm>> -> memref<128xi32, #tpu.memory_space<hbm>>
        tpu.enqueue_dma source(%dma_start3A_17 : memref<128xi32, #tpu.memory_space<hbm>>) target(%arg5 : memref<128xi32, #tpu.memory_space<vmem>>) target_semaphore(%run_scoped3A : memref<!tpu.dma_semaphore, #tpu.memory_space<semaphore_mem>>)
        %dma_wait3A_18 = tpu.memref_slice %arg3[%add3A_11] : memref<262144xi32, #tpu.memory_space<hbm>> -> memref<128xi32, #tpu.memory_space<hbm>>
        %dma_wait3A_19 = tpu.memref_slice %arg3[%add3A_11] : memref<262144xi32, #tpu.memory_space<hbm>> -> memref<128xi32, #tpu.memory_space<hbm>>
        tpu.wait_dma2 semaphore(%run_scoped3A : memref<!tpu.dma_semaphore, #tpu.memory_space<semaphore_mem>>) src(%dma_wait3A_19 : memref<128xi32, #tpu.memory_space<hbm>>) dst(%arg5 : memref<128xi32, #tpu.memory_space<vmem>>)
        tpu.yield
      }) : () -> ()
      %dma_start3A = arith.constant 0 : i32
      %dma_start3A_12 = arith.constant 0 : i32
      %dma_start3A_13 = tpu.memref_slice %arg2[%dma_start3A, %dma_start3A_12] : memref<16384x128xf32, #tpu.memory_space<hbm>> -> memref<16384x128xf32, #tpu.memory_space<hbm>>
      tpu.enqueue_indirect_dma source(%dma_start3A_13 : memref<16384x128xf32, #tpu.memory_space<hbm>>) target(%arg6 : memref<128x128xf32, #tpu.memory_space<vmem>>) offsets(%arg5 : memref<128xi32, #tpu.memory_space<vmem>>) semaphore(%arg7 : memref<!tpu.dma_semaphore, #tpu.memory_space<semaphore_mem>>)
      %dma_wait3A = arith.constant 0 : i32
      %dma_wait3A_14 = arith.constant 0 : i32
      %dma_wait3A_15 = tpu.memref_slice %arg2[%dma_wait3A, %dma_wait3A_14] : memref<16384x128xf32, #tpu.memory_space<hbm>> -> memref<16384x128xf32, #tpu.memory_space<hbm>>
      tpu.wait_indirect_dma semaphore(%arg7 : memref<!tpu.dma_semaphore, #tpu.memory_space<semaphore_mem>>) src(%dma_wait3A_15 : memref<16384x128xf32, #tpu.memory_space<hbm>>) dst(%arg6 : memref<128x128xf32, #tpu.memory_space<vmem>>)
      "tpu.region"() ({
        %run_scoped3A = tpu.sem_alloc : memref<!tpu.dma_semaphore, #tpu.memory_space<semaphore_mem>>
        %dma_start3A_16 = arith.constant 0 : i32
        %dma_start3A_17 = tpu.memref_slice %arg4[%add3A_11, %dma_start3A_16] : memref<262144x128xf32, #tpu.memory_space<hbm>> -> memref<128x128xf32, #tpu.memory_space<hbm>>
        %dma_start3A_18 = arith.constant 0 : i32
        %dma_start3A_19 = tpu.memref_slice %arg4[%add3A_11, %dma_start3A_18] : memref<262144x128xf32, #tpu.memory_space<hbm>> -> memref<128x128xf32, #tpu.memory_space<hbm>>
        tpu.enqueue_dma source(%arg6 : memref<128x128xf32, #tpu.memory_space<vmem>>) target(%dma_start3A_19 : memref<128x128xf32, #tpu.memory_space<hbm>>) target_semaphore(%run_scoped3A : memref<!tpu.dma_semaphore, #tpu.memory_space<semaphore_mem>>)
        %dma_wait3A_20 = arith.constant 0 : i32
        %dma_wait3A_21 = tpu.memref_slice %arg4[%add3A_11, %dma_wait3A_20] : memref<262144x128xf32, #tpu.memory_space<hbm>> -> memref<128x128xf32, #tpu.memory_space<hbm>>
        %dma_wait3A_22 = arith.constant 0 : i32
        %dma_wait3A_23 = tpu.memref_slice %arg4[%add3A_11, %dma_wait3A_22] : memref<262144x128xf32, #tpu.memory_space<hbm>> -> memref<128x128xf32, #tpu.memory_space<hbm>>
        tpu.wait_dma2 semaphore(%run_scoped3A : memref<!tpu.dma_semaphore, #tpu.memory_space<semaphore_mem>>) src(%arg6 : memref<128x128xf32, #tpu.memory_space<vmem>>) dst(%dma_wait3A_23 : memref<128x128xf32, #tpu.memory_space<hbm>>)
        tpu.yield
      }) : () -> ()
    }
    %scan3A_7 = arith.constant 64 : i32
    return
  }
}

</mosaic_0001>

<sc_bundles>
// kernel: _sc_gather.3.cloned.1.call-start
scs
__scs_entry_jumppad:
0x0: {  	(pc) =	sbr.rel $0x88, $3  }
0x1: {  	(tag) =	ssettag $0x0;
	lr =	simm.s32 $0x1  }
0x2: {  	[smem:$0x3F9F] =	sst lr;
	_ =	strace $0xD0000000  }
0x3: {  	_ = 	snop  }
0x4: {  	_ = 	snop  }
0x5: {  	_ = 	snop  }
0x6: {  	_ = 	snop  }
0x7: {  	_ = 	snop  }
__scs_overlays_trampoline_lowered:
0x8: {  	[smem:$0x3FAE] =	sst s0  }
0x9: {  	[smem:$0x3FAF] =	sst s1  }
0xa: {  	[smem:$0x3FB0] =	sst s2  }
0xb: {  	[smem:$0x3FB1] =	sst s3  }
0xc: {  	[smem:$0x3FB2] =	sst s4  }
0xd: {  	[smem:$0x3FB3] =	sst s5  }
0xe: {  	[smem:$0x3FB4] =	sst s6  }
0xf: {  	[smem:$0x3FB5] =	sst s7  }
0x10: {  	[smem:$0x3FB6] =	sst s8  }
0x11: {  	[smem:$0x3FB7] =	sst s9;
	s0 =	simm.s32 @!p0 $0x0  }
0x12: {  	s1 =	sld [smem:$0x3F9D];
	s0 =	simm.s32 @p0 $0x1  }
0x13: {  	[smem:$0x3FB8] =	sst s0;
	s0 =	simm.s32 @!p1 $0x0  }
0x14: {  	s2 =	sld [smem:$0x3F9C];
	s0 =	simm.s32 @p1 $0x1  }
0x15: {  	[smem:$0x3FB9] =	sst s0;
	s0 =	simm.s32 @!p2 $0x0  }
0x16: {  	s3 =	sld [smem:$0x3FDB];
	s0 =	simm.s32 @p2 $0x1  }
0x17: {  	s4 =	simm.s32 $0x1BF5;
	[smem:$0x3FBB] =	sst s0  }
0x18: {  	s0 =	sld [smem:$0x3F9E];
	_ =	swait.ge [sflag:s4], $0x0  }
0x19: {  	s7 =	sld [smem:$0x3F9F]  }
0x1a: {  	s8 =	sadd.s32 $0xFFFFE003, lr  }
0x1b: {  	s9 =	sadd.s32 $0xFFFFFEF7, lr;
	s5 =	simm.s32 $0xFFFFFFFF;
	p2 =	slt.u32 s8, $0xFFFFF086  }
0x1c: {  	p1 =	slt.u32 s9, $0xF7A;
	s5 =	simm.s32 @!p2 $0x0  }
0x1d: {  	s5 =	simm.s32 @p1 $0x1;
	p0 =	seq.s32 s7, s2  }
0x1e: {  	s7 =	smul.u32 @!p0 $0xF7A, s2;
	p2 =	seq.s32 @!p0 s5, $0x0  }
0x1f: {  	s9 =	smul.u32 $0xF7A, s1;
	s8 =	simm.s32 @!p0 $0x1BF5;
	p2 =	por !p2, p0  }
0x20: {  	[sflag:s8] =	ssyncset.s32 @!p0 $0xFFFFF086;
	s6 =	sadd.s32 @!p0 s3, s7;
	s7 =	simm.s32 @!p0 $0x108  }
0x21: {  	s3 =	sadd.s32 s3, s9;
	s6 =	sadd.s32 @!p0 $0x88, s6;
	s7 =	simm.s32 @p2 $0x1082  }
0x22: {  	[simem:s7], [sflag:s8] =	dma.local @!p0 [hbm:s6], $0xF7A  }
0x23: {  	s9 =	sor.u32 $0xD0000000, s2;
	s6 =	simm.s32 $0x108;
	_ =	swait.ge @!p0 [sflag:s8], $0x0  }
0x24: {  	s3 =	sadd.s32 $0x88, s3;
	s6 =	simm.s32 @!p1 $0x1082;
	[sflag:s4] =	ssyncset.s32 $0xFFFFF086  }
0x25: {  	[simem:s6], [sflag:s4] =	dma.local [hbm:s3], $0xF7A  }
0x26: {  	[smem:$0x3F9F] =	sst s1;
	(tag) =	ssettag s2;
	_ =	strace s9  }
0x27: {  	s1 =	sld [smem:$0x3FAF]  }
0x28: {  	s2 =	sld [smem:$0x3FB0]  }
0x29: {  	s4 =	sld [smem:$0x3FB2]  }
0x2a: {  	p0 =	seq.s32 s5, $0x0;
	s5 =	sld [smem:$0x3FB3]  }
0x2b: {  	s6 =	sld [smem:$0x3FB4]  }
0x2c: {  	s7 =	sld [smem:$0x3FB5]  }
0x2d: {  	s3 =	simm.s32 $0x108;
	s8 =	sld [smem:$0x3FB6]  }
0x2e: {  	s3 =	simm.s32 @!p0 $0x1082;
	s9 =	sld [smem:$0x3FB7]  }
0x2f: {  	lr =	sadd.s32 s0, s3;
	s0 =	sld [smem:$0x3FAE]  }
0x30: {  	s3 =	sld [smem:$0x3FB1]  }
0x31: {  	[smem:$0x3FBA] =	sst s10  }
0x32: {  	s10 =	sld [smem:$0x3FB8];
	_ =	sdelay $0x3  }
0x33: {  	p0 =	seq.s32 s10, $0x1;
	s10 =	sld [smem:$0x3FBA];
	_ =	sdelay $0x3  }
0x34: {  	[smem:$0x3FBA] =	sst s10  }
0x35: {  	s10 =	sld [smem:$0x3FB9];
	_ =	sdelay $0x3  }
0x36: {  	p1 =	seq.s32 s10, $0x1;
	s10 =	sld [smem:$0x3FBA];
	_ =	sdelay $0x3  }
0x37: {  	[smem:$0x3FBA] =	sst s10  }
0x38: {  	s10 =	sld [smem:$0x3FBB]  }
0x39: {  	_ = 	snop;
	(pc) =	sbr.ind lr, $3  }
0x3a: {  	_ = 	snop  }
0x3b: {  	_ = 	snop  }
0x3c: {  	p2 =	seq.s32 s10, $0x1;
	s10 =	sld [smem:$0x3FBA]  }
0x3d: {  	_ =	shalt  }
0x3e: {  	_ =	shalt  }
0x3f: {  	_ =	shalt  }
0x40: {  	_ =	shalt  }
0x41: {  	_ =	shalt  }
0x42: {  	_ =	shalt  }
0x43: {  	_ =	shalt  }
0x44: {  	_ =	shalt  }
0x45: {  	_ =	shalt  }
0x46: {  	_ =	shalt  }
0x47: {  	_ =	shalt  }
0x48: {  	_ =	shalt  }
0x49: {  	_ =	shalt  }
0x4a: {  	_ =	shalt  }
0x4b: {  	_ =	shalt  }
0x4c: {  	_ =	shalt  }
0x4d: {  	_ =	shalt  }
0x4e: {  	_ =	shalt  }
0x4f: {  	_ =	shalt  }
0x50: {  	_ =	shalt  }
0x51: {  	_ =	shalt  }
0x52: {  	_ =	shalt  }
0x53: {  	_ =	shalt  }
0x54: {  	_ =	shalt  }
0x55: {  	_ =	shalt  }
0x56: {  	_ =	shalt  }
0x57: {  	_ =	shalt  }
0x58: {  	_ =	shalt  }
0x59: {  	_ =	shalt  }
0x5a: {  	_ =	shalt  }
0x5b: {  	_ =	shalt  }
0x5c: {  	_ =	shalt  }
0x5d: {  	_ =	shalt  }
0x5e: {  	_ =	shalt  }
0x5f: {  	_ =	shalt  }
0x60: {  	_ =	shalt  }
0x61: {  	_ =	shalt  }
0x62: {  	_ =	shalt  }
0x63: {  	_ =	shalt  }
0x64: {  	_ =	shalt  }
0x65: {  	_ =	shalt  }
0x66: {  	_ =	shalt  }
0x67: {  	_ =	shalt  }
0x68: {  	_ =	shalt  }
0x69: {  	_ =	shalt  }
0x6a: {  	_ =	shalt  }
0x6b: {  	_ =	shalt  }
0x6c: {  	_ =	shalt  }
0x6d: {  	_ =	shalt  }
0x6e: {  	_ =	shalt  }
0x6f: {  	_ =	shalt  }
0x70: {  	_ =	shalt  }
0x71: {  	_ =	shalt  }
0x72: {  	_ =	shalt  }
0x73: {  	_ =	shalt  }
0x74: {  	_ =	shalt  }
0x75: {  	_ =	shalt  }
0x76: {  	_ =	shalt  }
0x77: {  	_ =	shalt  }
0x78: {  	_ =	shalt  }
0x79: {  	_ =	shalt  }
0x7a: {  	_ =	shalt  }
0x7b: {  	_ =	shalt  }
0x7c: {  	_ =	shalt  }
0x7d: {  	_ =	shalt  }
0x7e: {  	_ =	shalt  }
0x7f: {  	_ =	shalt  }
0x80: {  	_ =	shalt  }
0x81: {  	_ =	shalt  }
0x82: {  	_ =	shalt  }
0x83: {  	_ =	shalt  }
0x84: {  	_ =	shalt  }
0x85: {  	_ =	shalt  }
0x86: {  	_ =	shalt  }
0x87: {  	_ =	shalt  }
.Lfunc_end0:
.L_simem_size_0:
called_computation_lowered:
.L_overlay_start_0:
0x88: {  	s2 =	sld [smem:$0x3FD9]  }
0x89: {  	s3 =	sld [smem:$0x3FFE];
	_ =	sdelay $0x1  }
0x8a: {  	s1 =	srdreg.scid  }
0x8b: {  	s0 =	sand.u32 $0x1, s1  }
0x8c: {  	s18 =	sshll.u32 s0, $0xA;
	s2 =	sadd.s32 s3, s2  }
0x8d: {  	s2 =	sadd.s32 s2, s18  }
0x8e: {  	[smem:$0x3FC6] =	sst s2  }
0x8f: {  	_ = 	snop  }
0x90: {  	s2 =	sld [smem:$0x3FC9]  }
0x91: {  	s19 =	sld [smem:$0x3FC8]  }
0x92: {  	s4 =	sld [smem:$0x3FD0];
	(tm) =	ssettm $0x1  }
0x93: {  	s5 =	sld [smem:$0x3FFB];
	_ =	sdelay $0x3  }
0x94: {  	_ =	strace s5  }
0x95: {  	s5 =	sld [smem:$0x3FFC];
	_ =	sdelay $0x3  }
0x96: {  	_ =	strace s5  }
0x97: {  	s5 =	sld [smem:$0x3FFD];
	_ =	sdelay $0x3  }
0x98: {  	_ =	strace s5  }
0x99: {  	_ =	strace $0x8FFFFFFF  }
0x9a: {  	s20 =	sld [smem:$0x3FDB];
	_ =	sdelay $0x1  }
0x9b: {  	s6 =	simm.s32 $_scs_section_size  }
0x9c: {  	s7 =	simm.s32 $_size__tile_overlayer_lowered;
	s8 =	simm.s32 $_tile_overlayer_lowered  }
0x9d: {  	s23 =	simm.s32 $0x1BFF;
	s22 =	sshll.u32 s8, $0x1;
	s5 =	sadd.s32 s6, s20  }
0x9e: {  	s9 =	simm.s32 $0x0;
	s21 =	sshll.u32 s7, $0x1;
	s7 =	sadd.s32 s22, s5  }
0x9f: {  	[timem:s9], [sflag:s23] =	dma.local [hbm:s7], s21  }
0xa0: {  	_ =	swait.ge [sflag:s23], s21  }
0xa1: {  	s6 =	ssub.s32 $0x0, s21;
	[sflag:s23] =	ssyncset.done $0x0  }
0xa2: {  	[sflag:s23] =	ssyncadd.s32 s6;
	_ =	sdelay $0x1  }
0xa3: {  	s24 =	simm.s32 $0x1B8B  }
0xa4: {  	_ =	swait.ge [sflag:s24], $0x1  }
0xa5: {  	[sflag:s24] =	ssyncset.done $0x0  }
0xa6: {  	s25 =	simm.s32 $0x1B8E;
	[sflag:s24] =	ssyncadd.s32 $0xFFFFFFFF  }
0xa7: {  	s26 =	simm.s32 $execute0_lowered;
	[smem:$0x3FD2] =	sst s25  }
0xa8: {  	s6 =	sshll.u32 s26, $0x1;
	_ =	strace $0x80000046;
	[dreg:$0x1] =	wrdreg $0xFFFFFFFF  }
0xa9: {  	s28 =	simm.s32 $_size_execute0_lowered;
	s5 =	sadd.s32 s5, s6;
	[dreg:$0x0] =	wrdreg $0x0  }
0xaa: {  	s6 =	sshll.u32 s28, $0x1;
	[dreg:$0x2] =	wrdreg s5  }
0xab: {  	[dreg:$0x3] =	wrdreg s6  }
0xac: {  	[dreg:$0x4] =	wrdreg $0xC0  }
0xad: {  	_ =	task [dreg:s9], $0x5FFFF  }
0xae: {  	[dreg:$0x1] =	wrdreg $0xFFFFFFFF  }
0xaf: {  	[dreg:$0x0] =	wrdreg $0x60  }
0xb0: {  	[dreg:$0x2] =	wrdreg s2  }
0xb1: {  	[dreg:$0x3] =	wrdreg s19  }
0xb2: {  	[dreg:$0x4] =	wrdreg s4  }
0xb3: {  	[dreg:$0x5] =	wrdreg $0x9  }
0xb4: {  	_ =	task.clear_ibuf [dreg:s9], $0x6FFFF;
	_ =	strace $0x90000046  }
0xb5: {  	s29 =	simm.s32 $0x9;
	_ =	strace $0x80000048  }
0xb6: {  	_ =	swait.ge [sflag:s29], $0x1  }
0xb7: {  	[sflag:s29] =	ssyncadd.s32 $0xFFFFFFFF  }
0xb8: {  	_ =	strace $0x90000048  }
0xb9: {  	_ =	sfence  }
0xba: {  	s30 =	sld [smem:$0x0];
	_ =	sdelay $0x2  }
0xbb: {  	s31 =	sshll.u32 s1, $0xD;
	s1 =	sshrl.u32 s1, $0x2  }
0xbc: {  	s3 =	sand.u32 $0x4000, s31;
	s1 =	sadd.s32 s1, s30  }
0xbd: {  	s0 =	sor.u32 s3, s0;
	s1 =	sshll.u32 s1, $0x11  }
0xbe: {  	s0 =	sor.u32 s1, s0  }
0xbf: {  	s0 =	sadd.s32 $0x8F2B, s0  }
0xc0: {  	[sflag:s0] =	ssyncadd.remote.s32 $0x1  }
0xc1: {  	_ =	sfence.sel $0xFFFF  }
0xc2: {  	[dreg:$0x0] =	wrdreg $0xFFFFFFFF;
	(pc) =	sbr.abs _section_cstart, $3  }
0xc3: {  	[dreg:$0x1] =	wrdreg $0xFFFFFFFF  }
0xc4: {  	_ =	task.clear_ibuf [dreg:s9], $0x2FFFF;
	_ =	strace $0x9FFFFFFF  }
0xc5: {  	(tm) =	ssettm $0x7FFFFFFF  }
tec
execute0_lowered:
.L_overlay_start_1:
0x0: {  	(tag) =	ssettag $0x1  }
0x1: {  	s1 =	rddreg [dreg:$0x0]  }
0x2: {  	s6 =	rddreg [dreg:$0x1]  }
0x3: {  	s5 =	rddreg [dreg:$0x2]  }
0x4: {  	s3 =	srdreg.scid;
	s0 =	rddreg [dreg:$0x3];
	s2 =	simm.s32 $0x0  }
0x5: {  	s7 =	sand.u32 $0x1, s3;
	[smem:$0x7FF] =	sst s2;
	s3 =	stileid.u32  }
0x6: {  	s4 =	ssub.s32 $0x2, s7;
	_ =	strace $0x80000047;
	s31 =	sshll.u32 s3, $0xE  }
0x7: {  	s9 =	sshll.u32 s7, $0xD;
	s10 =	sshll.u32 s3, $0x12;
	s7 =	sshll.u32 s7, $0x11  }
0x8: {  	s8 =	sshrl.u32 s4, $0x1;
	s5 =	sadd.s32 s10, s5;
	s10 =	simm.s32 $0x0  }
0x9: {  	s4 =	ssub.s32 s4, s8;
	s8 =	sor.u32 s9, s31;
	s5 =	sadd.s32 s7, s5  }
0xa: {  	s7 =	simm.s32 $0x2;
	s9 =	simm.s32 $0x1;
	s8 =	sshrl.u32 s8, $0x3  }
0xb: {  	s4 =	smax.u32 s4, $0x1;
	s6 =	sadd.s32 s8, s6;
	s8 =	simm.s32 $0x80  }
.LBB2_1:
0xc: {  	s11 =	sadd.s32 $0x0, s6  }
0xd: {  	[tilespmem:s2], [sflag:$0x2] =	stream.linear.gather [hbm4b:s11+s2], $0x80, $0x38;
	[tilespmem:$0x4080] =	vst v63  }
0xe: {  	_ =	swait.ge [sflag:s7], $0x80  }
0xf: {  	[sflag:s7] =	ssyncset.done $0x0  }
0x10: {  	[sflag:s7] =	ssyncadd.s32 $0xFFFFFF80  }
0x11: {  	[tilespmem:s8], [sflag:$0x1] =	stream.indirect.gather [hbm4b:s1+s8], $0x80, s2, s8, $0xb8;
	[tilespmem:$0x4080] =	vst v63  }
0x12: {  	_ =	swait.ge [sflag:s9], $0x4000  }
0x13: {  	[sflag:s9] =	ssyncset.done $0x0  }
0x14: {  	[sflag:s9] =	ssyncadd.s32 $0xFFFFC000  }
0x15: {  	[hbm4b:s5+s2] =	stream.linear.scatter [tilespmem:s8], [sflag:$0x2], $0x4000, $0x38;
	[tilespmem:$0x4080] =	vst v63  }
0x16: {  	s12 =	simm.s32 $0x10;
	_ =	swait.ge [sflag:s7], $0x4000  }
0x17: {  	s13 =	simm.s32 $0x20;
	s11 =	sadd.s32 $0x800, s5;
	[sflag:s7] =	ssyncset.done $0x0  }
.LBB2_2:
0x18: {  	s14 =	sadd.s32 s12, s6  }
0x19: {  	[sflag:s7] =	ssyncadd.s32 $0xFFFFC000;
	s12 =	smov.u32 s13;
	s15 =	sadd.s32 $0x10, s13  }
0x1a: {  	[tilespmem:s2], [sflag:$0x2] =	stream.linear.gather [hbm4b:s14+s2], $0x80, $0x38;
	[tilespmem:$0x4080] =	vst v63  }
0x1b: {  	p0 =	sne.s32 s13, $0x3F0;
	_ =	swait.ge [sflag:s7], $0x80  }
0x1c: {  	[sflag:s7] =	ssyncset.done $0x0  }
0x1d: {  	[sflag:s7] =	ssyncadd.s32 $0xFFFFFF80  }
0x1e: {  	[tilespmem:s8], [sflag:$0x1] =	stream.indirect.gather [hbm4b:s1+s8], $0x80, s2, s8, $0xb8;
	[tilespmem:$0x4080] =	vst v63  }
0x1f: {  	_ =	swait.ge [sflag:s9], $0x4000  }
.Ltmp0:
0x20: {  	[sflag:s9] =	ssyncset.done $0x0;
	(pc) =	sbr.rel @p0 .LBB2_2-.Ltmp0, $4  }
0x21: {  	[sflag:s9] =	ssyncadd.s32 $0xFFFFC000  }
0x22: {  	[hbm4b:s11+s2] =	stream.linear.scatter [tilespmem:s8], [sflag:$0x2], $0x4000, $0x38;
	[tilespmem:$0x4080] =	vst v63  }
0x23: {  	_ =	swait.ge [sflag:s7], $0x4000  }
0x24: {  	s13 =	smov.u32 s15;
	s11 =	sadd.s32 $0x800, s11;
	[sflag:s7] =	ssyncset.done $0x0  }
0x25: {  	s12 =	sadd.s32 s12, s6;
	[sflag:s7] =	ssyncadd.s32 $0xFFFFC000  }
0x26: {  	[tilespmem:s2], [sflag:$0x2] =	stream.linear.gather [hbm4b:s12+s2], $0x80, $0x38;
	[tilespmem:$0x4080] =	vst v63  }
0x27: {  	_ =	swait.ge [sflag:s7], $0x80  }
0x28: {  	[sflag:s7] =	ssyncset.done $0x0  }
0x29: {  	[sflag:s7] =	ssyncadd.s32 $0xFFFFFF80  }
0x2a: {  	[tilespmem:s8], [sflag:$0x1] =	stream.indirect.gather [hbm4b:s1+s8], $0x80, s2, s8, $0xb8;
	[tilespmem:$0x4080] =	vst v63  }
0x2b: {  	s10 =	sadd.s32 $0x1, s10;
	_ =	swait.ge [sflag:s9], $0x4000  }
0x2c: {  	p0 =	sne.s32 s10, s4;
	[sflag:s9] =	ssyncset.done $0x0  }
.Ltmp1:
0x2d: {  	[sflag:s9] =	ssyncadd.s32 $0xFFFFC000;
	(pc) =	sbr.rel @p0 .LBB2_1-.Ltmp1, $4  }
0x2e: {  	[hbm4b:s11+s2] =	stream.linear.scatter [tilespmem:s8], [sflag:$0x2], $0x4000, $0x38;
	[tilespmem:$0x4080] =	vst v63  }
0x2f: {  	_ =	swait.ge [sflag:s7], $0x4000  }
0x30: {  	[sflag:s7] =	ssyncset.done $0x0  }
0x31: {  	[sflag:s7] =	ssyncadd.s32 $0xFFFFC000  }
0x32: {  	_ =	sfence.sel $0x180000  }
0x33: {  	[bflag:$0x0] =	sbarrier.arrive $0xFFFF  }
0x34: {  	p0 =	sne.s32 s3, $0x0;
	_ =	strace $0x90000047  }
0x35: {  	s0 =	sadd.s32 @!p0 $0x100000, s0;
	[bflag:$0x2] =	sbarrier.arrive $0xFFFF  }
0x36: {  	[sflag:s0] =	ssyncadd.tile.s32 @!p0 $0x1;
	_ =	shalt  }
.Lfunc_end2:
_tile_overlayer_lowered:
.L_overlay_start_2:
0x37: {  	(tag) =	ssettag $0x2  }
0x38: {  	s0 =	rddreg [dreg:$0x0];
	s2 =	stileid.u32  }
0x39: {  	s1 =	rddreg [dreg:$0x1];
	p0 =	sne.s32 s2, $0x0  }
0x3a: {  	s3 =	rddreg [dreg:$0x2];
	[bflag:$0x3] =	sbarrier.arrive $0xFFFF;
	s2 =	simm.s32 @!p0 $0x1C02  }
0x3b: {  	[timem:s3], [sflag:s2] =	dma.local @!p0 [hbm:s0], s1  }
0x3c: {  	s0 =	simm.s32 @!p0 $0x2  }
0x3d: {  	_ =	swait.ge @!p0 [sflag:s0], s1  }
0x3e: {  	s1 =	ssub.s32 @!p0 $0x0, s1;
	[sflag:s0] =	ssyncset.done @!p0 $0x0  }
0x3f: {  	[sflag:s0] =	ssyncadd.s32 @!p0 s1  }
0x40: {  	[bflag:$0x3] =	sbarrier.arrive $0xFFFF  }
0x41: {  	_ =	shalt  }

</sc_bundles>
